<compile_context>
chip_gen: v7x
topology: tpu7x:2x2x1
jax: 0.10.2.dev20260603
libtpu: 0.0.44.dev20260713+nightly
codegen_flags: <defaults>
</compile_context>

<pallas_src>
import functools

import jax
import jax.numpy as jnp
from jax import lax
from jax.experimental import pallas as pl
from jax.experimental.pallas import tpu as pltpu
from jax.experimental.pallas import tpu_sc as plsc

_TILE = 256


def _rowsq_like_xla(x):
    t = x * x
    acc = t[:, 0:1]
    for j in range(1, t.shape[1]):
        acc = acc + t[:, j:j + 1]
    return acc


def _dist_argmin_body(x_ref, wt_ref, idx_ref):
    x = x_ref[...]
    wt = wt_ref[...]
    k = wt.shape[1]
    x_sq = _rowsq_like_xla(x)
    w_sq = jnp.sum(wt * wt, axis=0, keepdims=True)
    f = jnp.dot(x.astype(jnp.bfloat16), wt.astype(jnp.bfloat16),
                preferred_element_type=jnp.float32)
    d2 = x_sq - 2.0 * f + w_sq
    dist = jnp.sqrt(jnp.maximum(d2, 0.0))
    m = jnp.min(dist, axis=1, keepdims=True)
    cols = lax.broadcasted_iota(jnp.int32, dist.shape, 1)
    cand = jnp.where(dist == m, cols, k)
    idx_ref[0, 0, :] = jnp.min(cand, axis=1)


def _dist_argmin(flat, wt):
    n, c = flat.shape
    k = wt.shape[1]
    grid = n // _TILE
    out = pl.pallas_call(
        _dist_argmin_body,
        grid=(grid,),
        in_specs=[
            pl.BlockSpec((_TILE, c), lambda i: (i, 0)),
            pl.BlockSpec((c, k), lambda i: (0, 0)),
        ],
        out_specs=pl.BlockSpec((1, 1, _TILE), lambda i: (i, 0, 0)),
        out_shape=jax.ShapeDtypeStruct((grid, 1, _TILE), jnp.int32),
    )(flat, wt)
    return out.reshape(n)


def _make_sc_gather(n, c, k_codes):
    info = plsc.get_sparse_core_info()
    nw = info.num_cores * info.num_subcores
    b_w = n // nw
    n_chunks = b_w // 128
    rows = b_w * c // 128
    per_row = 128 // c
    mesh = plsc.VectorSubcoreMesh(core_axis_name="c", subcore_axis_name="s")

    @functools.partial(
        pl.kernel,
        mesh=mesh,
        out_type=[
            jax.ShapeDtypeStruct((nw, rows, 128), jnp.float32),
            jax.ShapeDtypeStruct((nw, rows, 128), jnp.float32),
        ],
        scratch_types=[
            pltpu.VMEM((n_chunks, 128), jnp.int32),
            pltpu.VMEM((b_w, 128), jnp.float32),
            pltpu.VMEM((rows, 128), jnp.float32),
            pltpu.VMEM((rows, 128), jnp.float32),
            pltpu.VMEM((rows, 128), jnp.float32),
            pltpu.SemaphoreType.DMA,
        ],
    )
    def sc_gather(wpad_hbm, idx_hbm, z_hbm, zq_hbm, st_hbm,
                  idx_v, g_v, z_v, zq_v, st_v, sem):
        wid = lax.axis_index("s") * info.num_cores + lax.axis_index("c")
        pltpu.sync_copy(idx_hbm.at[wid], idx_v)
        pltpu.sync_copy(z_hbm.at[wid], z_v)
        for j in range(n_chunks):
            pltpu.async_copy(
                wpad_hbm.at[idx_v.at[j]], g_v.at[pl.ds(j * 128, 128)], sem
            ).wait()

        def body(r, carry):
            for q in range(per_row):
                for ch in range(c // 16):
                    lane = q * c + ch * 16
                    zr = z_v[r, pl.ds(lane, 16)]
                    wr = g_v[r * per_row + q, pl.ds(ch * 16, 16)]
                    zq_v[r, pl.ds(lane, 16)] = wr
                    st_v[r, pl.ds(lane, 16)] = zr + (wr - zr)
            return carry

        lax.fori_loop(0, rows, body, 0)
        pltpu.sync_copy(zq_v, zq_hbm.at[wid])
        pltpu.sync_copy(st_v, st_hbm.at[wid])

    return sc_gather, nw, n_chunks, rows


def kernel(z_e, W):
    b, ch, hh, ww = z_e.shape
    k_codes, d_code = W.shape
    z = jnp.transpose(z_e, (0, 2, 3, 1))
    flat = z.reshape(-1, d_code)
    n = flat.shape[0]

    indices = _dist_argmin(flat, W.T)

    sc_gather, nw, n_chunks, rows = _make_sc_gather(n, d_code, k_codes)
    idx3 = indices.reshape(nw, n_chunks, 128)
    w_pad = jnp.pad(W, ((0, 0), (0, 128 - d_code)))
    z3 = flat.reshape(nw, rows, 128)
    z_q_c, z_q_st_c = sc_gather(w_pad, idx3, z3)

    z_q = z_q_c.reshape(b, hh, ww, ch)
    z_q_st = z_q_st_c.reshape(b, hh, ww, ch)
    z_q_out = jnp.transpose(z_q, (0, 3, 1, 2))
    z_q_st_out = jnp.transpose(z_q_st, (0, 3, 1, 2))
    return (z_q_st_out, z_q_out, indices.reshape(b, hh * ww))

# --- scband reference (transcript-rebuilt; emitter-appended) ---
"""Pipeline reference for scband-vector-quant-straight-through-7679401525798 (READ-ONLY COPY).

The authoritative reference and input builder live on the scoring server;
editing this copy changes nothing except your own understanding.
"""

import jax, jax.numpy as jnp
import numpy as np

K_CODES = 8192
D_CODE = 32

def setup_inputs(seed: int = 0) -> dict:
    key = jax.random.key(seed)
    k1, k2 = jax.random.split(key)
    z_e = jax.random.normal(k1, (8, 32, 32, 32), dtype=jnp.float32)
    W = jax.random.uniform(k2, (K_CODES, D_CODE), minval=-1.0 / K_CODES, maxval=1.0 / K_CODES, dtype=jnp.float32)
    return {"z_e": z_e, "W": W}

def reference(z_e, W):
    # z_e: [B, C, H, W] -> [B, H, W, C]
    z = jnp.transpose(z_e, (0, 2, 3, 1))
    B, Hh, Ww, C = z.shape
    flat = z.reshape(-1, C)
    # torch.cdist (p=2 euclidean) between flat [N, C] and codebook W [K, C]
    x_sq = jnp.sum(flat * flat, axis=1, keepdims=True)
    w_sq = jnp.sum(W * W, axis=1)[None, :]
    d2 = x_sq - 2.0 * (flat @ W.T) + w_sq
    dist = jnp.sqrt(jnp.maximum(d2, 0.0))
    indices = jnp.argmin(dist, axis=1)
    # embedding lookup (gather)
    z_q = jnp.take(W, indices, axis=0).reshape(z.shape)
    # straight-through estimator
    z_q_st = z + jax.lax.stop_gradient(z_q - z)
    z_q_out = jnp.transpose(z_q, (0, 3, 1, 2))
    z_q_st_out = jnp.transpose(z_q_st, (0, 3, 1, 2))
    return (z_q_st_out, z_q_out, indices.reshape(B, Hh * Ww))

if __name__ == "__main__":
    import jax
    _d = setup_inputs()
    print(jax.jit(kernel)(*tuple(_d.values())))

</pallas_src>

<mosaic_0001>
#map = affine_map<(d0, d1) -> (0, 0)>
#map1 = affine_map<(d0, d1) -> (0, 0, 0)>
module attributes {stable_mosaic.version = 14 : i64} {
  func.func @sc_gather(%arg0: i32, %arg1: i32, %arg2: memref<8192x128xf32, #tpu.memory_space<hbm>>, %arg3: memref<32x2x128xi32, #tpu.memory_space<hbm>>, %arg4: memref<32x64x128xf32, #tpu.memory_space<hbm>>, %arg5: memref<32x64x128xf32, #tpu.memory_space<hbm>>, %arg6: memref<32x64x128xf32, #tpu.memory_space<hbm>>, %arg7: memref<2x128xi32, #tpu.memory_space<vmem>>, %arg8: memref<256x128xf32, #tpu.memory_space<vmem>>, %arg9: memref<64x128xf32, #tpu.memory_space<vmem>>, %arg10: memref<64x128xf32, #tpu.memory_space<vmem>>, %arg11: memref<64x128xf32, #tpu.memory_space<vmem>>, %arg12: memref<!tpu.dma_semaphore, #tpu.memory_space<semaphore_mem>>) attributes {dimension_semantics = [#tpu.dimension_semantics<core_parallel>, #tpu.dimension_semantics<subcore_parallel>], iteration_bounds = array<i64: 2, 16>, scalar_prefetch = 0 : i64, scratch_operands = 6 : i64, tpu.core_type = #tpu.core_type<sc_vector_subcore>, window_params = [{transform_indices = #map}, {transform_indices = #map1}, {transform_indices = #map1}, {transform_indices = #map1}, {transform_indices = #map1}]} {
    %mul3A = arith.constant 2 : i32
    %mul3A_0 = arith.muli %arg1, %mul3A : i32
    %add3A = arith.addi %mul3A_0, %arg0 : i32
    "tpu.region"() ({
      %run_scoped3A = tpu.sem_alloc : memref<!tpu.dma_semaphore, #tpu.memory_space<semaphore_mem>>
      %dma_start3A_44 = arith.constant 0 : i32
      %dma_start3A_45 = arith.constant 0 : i32
      %dma_start3A_46 = tpu.memref_slice %arg3[%add3A, %dma_start3A_44, %dma_start3A_45] : memref<32x2x128xi32, #tpu.memory_space<hbm>> -> memref<1x2x128xi32, #tpu.memory_space<hbm>>
      %dma_start3A_47 = tpu.memref_squeeze %dma_start3A_46 : memref<1x2x128xi32, #tpu.memory_space<hbm>> -> memref<2x128xi32, #tpu.memory_space<hbm>>
      %dma_start3A_48 = arith.constant 0 : i32
      %dma_start3A_49 = arith.constant 0 : i32
      %dma_start3A_50 = tpu.memref_slice %arg3[%add3A, %dma_start3A_48, %dma_start3A_49] : memref<32x2x128xi32, #tpu.memory_space<hbm>> -> memref<1x2x128xi32, #tpu.memory_space<hbm>>
      %dma_start3A_51 = tpu.memref_squeeze %dma_start3A_50 : memref<1x2x128xi32, #tpu.memory_space<hbm>> -> memref<2x128xi32, #tpu.memory_space<hbm>>
      tpu.enqueue_dma source(%dma_start3A_51 : memref<2x128xi32, #tpu.memory_space<hbm>>) target(%arg7 : memref<2x128xi32, #tpu.memory_space<vmem>>) target_semaphore(%run_scoped3A : memref<!tpu.dma_semaphore, #tpu.memory_space<semaphore_mem>>)
      %dma_wait3A_52 = arith.constant 0 : i32
      %dma_wait3A_53 = arith.constant 0 : i32
      %dma_wait3A_54 = tpu.memref_slice %arg3[%add3A, %dma_wait3A_52, %dma_wait3A_53] : memref<32x2x128xi32, #tpu.memory_space<hbm>> -> memref<1x2x128xi32, #tpu.memory_space<hbm>>
      %dma_wait3A_55 = tpu.memref_squeeze %dma_wait3A_54 : memref<1x2x128xi32, #tpu.memory_space<hbm>> -> memref<2x128xi32, #tpu.memory_space<hbm>>
      %dma_wait3A_56 = arith.constant 0 : i32
      %dma_wait3A_57 = arith.constant 0 : i32
      %dma_wait3A_58 = tpu.memref_slice %arg3[%add3A, %dma_wait3A_56, %dma_wait3A_57] : memref<32x2x128xi32, #tpu.memory_space<hbm>> -> memref<1x2x128xi32, #tpu.memory_space<hbm>>
      %dma_wait3A_59 = tpu.memref_squeeze %dma_wait3A_58 : memref<1x2x128xi32, #tpu.memory_space<hbm>> -> memref<2x128xi32, #tpu.memory_space<hbm>>
      tpu.wait_dma2 semaphore(%run_scoped3A : memref<!tpu.dma_semaphore, #tpu.memory_space<semaphore_mem>>) src(%dma_wait3A_59 : memref<2x128xi32, #tpu.memory_space<hbm>>) dst(%arg7 : memref<2x128xi32, #tpu.memory_space<vmem>>)
      tpu.yield
    }) : () -> ()
    "tpu.region"() ({
      %run_scoped3A = tpu.sem_alloc : memref<!tpu.dma_semaphore, #tpu.memory_space<semaphore_mem>>
      %dma_start3A_44 = arith.constant 0 : i32
      %dma_start3A_45 = arith.constant 0 : i32
      %dma_start3A_46 = tpu.memref_slice %arg4[%add3A, %dma_start3A_44, %dma_start3A_45] : memref<32x64x128xf32, #tpu.memory_space<hbm>> -> memref<1x64x128xf32, #tpu.memory_space<hbm>>
      %dma_start3A_47 = tpu.memref_squeeze %dma_start3A_46 : memref<1x64x128xf32, #tpu.memory_space<hbm>> -> memref<64x128xf32, #tpu.memory_space<hbm>>
      %dma_start3A_48 = arith.constant 0 : i32
      %dma_start3A_49 = arith.constant 0 : i32
      %dma_start3A_50 = tpu.memref_slice %arg4[%add3A, %dma_start3A_48, %dma_start3A_49] : memref<32x64x128xf32, #tpu.memory_space<hbm>> -> memref<1x64x128xf32, #tpu.memory_space<hbm>>
      %dma_start3A_51 = tpu.memref_squeeze %dma_start3A_50 : memref<1x64x128xf32, #tpu.memory_space<hbm>> -> memref<64x128xf32, #tpu.memory_space<hbm>>
      tpu.enqueue_dma source(%dma_start3A_51 : memref<64x128xf32, #tpu.memory_space<hbm>>) target(%arg9 : memref<64x128xf32, #tpu.memory_space<vmem>>) target_semaphore(%run_scoped3A : memref<!tpu.dma_semaphore, #tpu.memory_space<semaphore_mem>>)
      %dma_wait3A_52 = arith.constant 0 : i32
      %dma_wait3A_53 = arith.constant 0 : i32
      %dma_wait3A_54 = tpu.memref_slice %arg4[%add3A, %dma_wait3A_52, %dma_wait3A_53] : memref<32x64x128xf32, #tpu.memory_space<hbm>> -> memref<1x64x128xf32, #tpu.memory_space<hbm>>
      %dma_wait3A_55 = tpu.memref_squeeze %dma_wait3A_54 : memref<1x64x128xf32, #tpu.memory_space<hbm>> -> memref<64x128xf32, #tpu.memory_space<hbm>>
      %dma_wait3A_56 = arith.constant 0 : i32
      %dma_wait3A_57 = arith.constant 0 : i32
      %dma_wait3A_58 = tpu.memref_slice %arg4[%add3A, %dma_wait3A_56, %dma_wait3A_57] : memref<32x64x128xf32, #tpu.memory_space<hbm>> -> memref<1x64x128xf32, #tpu.memory_space<hbm>>
      %dma_wait3A_59 = tpu.memref_squeeze %dma_wait3A_58 : memref<1x64x128xf32, #tpu.memory_space<hbm>> -> memref<64x128xf32, #tpu.memory_space<hbm>>
      tpu.wait_dma2 semaphore(%run_scoped3A : memref<!tpu.dma_semaphore, #tpu.memory_space<semaphore_mem>>) src(%dma_wait3A_59 : memref<64x128xf32, #tpu.memory_space<hbm>>) dst(%arg9 : memref<64x128xf32, #tpu.memory_space<vmem>>)
      tpu.yield
    }) : () -> ()
    %dma_start3A = arith.constant 0 : i32
    %dma_start3A_1 = arith.constant 0 : i32
    %dma_start3A_2 = arith.constant 0 : i32
    %dma_start3A_3 = tpu.memref_slice %arg8[%dma_start3A_1, %dma_start3A_2] : memref<256x128xf32, #tpu.memory_space<vmem>> -> memref<128x128xf32, #tpu.memory_space<vmem>>
    %dma_start3A_4 = arith.constant 0 : i32
    %dma_start3A_5 = tpu.memref_slice %arg7[%dma_start3A, %dma_start3A_4] : memref<2x128xi32, #tpu.memory_space<vmem>> -> memref<1x128xi32, #tpu.memory_space<vmem>>
    %dma_start3A_6 = tpu.memref_squeeze %dma_start3A_5 : memref<1x128xi32, #tpu.memory_space<vmem>> -> memref<128xi32, #tpu.memory_space<vmem>>
    %dma_start3A_7 = arith.constant 0 : i32
    %dma_start3A_8 = arith.constant 0 : i32
    %dma_start3A_9 = tpu.memref_slice %arg2[%dma_start3A_7, %dma_start3A_8] : memref<8192x128xf32, #tpu.memory_space<hbm>> -> memref<8192x128xf32, #tpu.memory_space<hbm>>
    tpu.enqueue_indirect_dma source(%dma_start3A_9 : memref<8192x128xf32, #tpu.memory_space<hbm>>) target(%dma_start3A_3 : memref<128x128xf32, #tpu.memory_space<vmem>>) offsets(%dma_start3A_6 : memref<128xi32, #tpu.memory_space<vmem>>) semaphore(%arg12 : memref<!tpu.dma_semaphore, #tpu.memory_space<semaphore_mem>>)
    %dma_wait3A = arith.constant 0 : i32
    %dma_wait3A_10 = arith.constant 0 : i32
    %dma_wait3A_11 = arith.constant 0 : i32
    %dma_wait3A_12 = tpu.memref_slice %arg8[%dma_wait3A_10, %dma_wait3A_11] : memref<256x128xf32, #tpu.memory_space<vmem>> -> memref<128x128xf32, #tpu.memory_space<vmem>>
    %dma_wait3A_13 = arith.constant 0 : i32
    %dma_wait3A_14 = tpu.memref_slice %arg7[%dma_wait3A, %dma_wait3A_13] : memref<2x128xi32, #tpu.memory_space<vmem>> -> memref<1x128xi32, #tpu.memory_space<vmem>>
    %dma_wait3A_15 = tpu.memref_squeeze %dma_wait3A_14 : memref<1x128xi32, #tpu.memory_space<vmem>> -> memref<128xi32, #tpu.memory_space<vmem>>
    %dma_wait3A_16 = arith.constant 0 : i32
    %dma_wait3A_17 = arith.constant 0 : i32
    %dma_wait3A_18 = tpu.memref_slice %arg2[%dma_wait3A_16, %dma_wait3A_17] : memref<8192x128xf32, #tpu.memory_space<hbm>> -> memref<8192x128xf32, #tpu.memory_space<hbm>>
    tpu.wait_indirect_dma semaphore(%arg12 : memref<!tpu.dma_semaphore, #tpu.memory_space<semaphore_mem>>) src(%dma_wait3A_18 : memref<8192x128xf32, #tpu.memory_space<hbm>>) dst(%dma_wait3A_12 : memref<128x128xf32, #tpu.memory_space<vmem>>)
    %dma_start3A_19 = arith.constant 1 : i32
    %dma_start3A_20 = arith.constant 128 : i32
    %dma_start3A_21 = arith.constant 0 : i32
    %dma_start3A_22 = tpu.memref_slice %arg8[%dma_start3A_20, %dma_start3A_21] : memref<256x128xf32, #tpu.memory_space<vmem>> -> memref<128x128xf32, #tpu.memory_space<vmem>>
    %dma_start3A_23 = arith.constant 0 : i32
    %dma_start3A_24 = tpu.memref_slice %arg7[%dma_start3A_19, %dma_start3A_23] : memref<2x128xi32, #tpu.memory_space<vmem>> -> memref<1x128xi32, #tpu.memory_space<vmem>>
    %dma_start3A_25 = tpu.memref_squeeze %dma_start3A_24 : memref<1x128xi32, #tpu.memory_space<vmem>> -> memref<128xi32, #tpu.memory_space<vmem>>
    %dma_start3A_26 = arith.constant 0 : i32
    %dma_start3A_27 = arith.constant 0 : i32
    %dma_start3A_28 = tpu.memref_slice %arg2[%dma_start3A_26, %dma_start3A_27] : memref<8192x128xf32, #tpu.memory_space<hbm>> -> memref<8192x128xf32, #tpu.memory_space<hbm>>
    tpu.enqueue_indirect_dma source(%dma_start3A_28 : memref<8192x128xf32, #tpu.memory_space<hbm>>) target(%dma_start3A_22 : memref<128x128xf32, #tpu.memory_space<vmem>>) offsets(%dma_start3A_25 : memref<128xi32, #tpu.memory_space<vmem>>) semaphore(%arg12 : memref<!tpu.dma_semaphore, #tpu.memory_space<semaphore_mem>>)
    %dma_wait3A_29 = arith.constant 1 : i32
    %dma_wait3A_30 = arith.constant 128 : i32
    %dma_wait3A_31 = arith.constant 0 : i32
    %dma_wait3A_32 = tpu.memref_slice %arg8[%dma_wait3A_30, %dma_wait3A_31] : memref<256x128xf32, #tpu.memory_space<vmem>> -> memref<128x128xf32, #tpu.memory_space<vmem>>
    %dma_wait3A_33 = arith.constant 0 : i32
    %dma_wait3A_34 = tpu.memref_slice %arg7[%dma_wait3A_29, %dma_wait3A_33] : memref<2x128xi32, #tpu.memory_space<vmem>> -> memref<1x128xi32, #tpu.memory_space<vmem>>
    %dma_wait3A_35 = tpu.memref_squeeze %dma_wait3A_34 : memref<1x128xi32, #tpu.memory_space<vmem>> -> memref<128xi32, #tpu.memory_space<vmem>>
    %dma_wait3A_36 = arith.constant 0 : i32
    %dma_wait3A_37 = arith.constant 0 : i32
    %dma_wait3A_38 = tpu.memref_slice %arg2[%dma_wait3A_36, %dma_wait3A_37] : memref<8192x128xf32, #tpu.memory_space<hbm>> -> memref<8192x128xf32, #tpu.memory_space<hbm>>
    tpu.wait_indirect_dma semaphore(%arg12 : memref<!tpu.dma_semaphore, #tpu.memory_space<semaphore_mem>>) src(%dma_wait3A_38 : memref<8192x128xf32, #tpu.memory_space<hbm>>) dst(%dma_wait3A_32 : memref<128x128xf32, #tpu.memory_space<vmem>>)
    %scan3A = arith.constant 0 : i32
    %scan3A_39 = arith.constant 0 : i32
    %scan3A_40 = arith.constant 64 : i32
    %scan3A_41 = arith.addi %scan3A_39, %scan3A_40 : i32
    %scan3A_42 = arith.constant 1 : i32
    scf.for %scan3A_44 = %scan3A_39 to %scan3A_41 step %scan3A_42  : i32 {
      %get3A = arith.index_cast %scan3A_44 : i32 to index
      %get3A_45 = arith.constant 0 : index
      %get3A_46 = tpu.vector_load %arg9[%get3A, %get3A_45] {strides = array<i32>} : memref<64x128xf32, #tpu.memory_space<vmem>>, vector<1x16xf32>,
      %get3A_47 = vector.shape_cast %get3A_46 : vector<1x16xf32> to vector<16xf32>
      %mul3A_48 = arith.constant 4 : i32
      %mul3A_49 = arith.muli %scan3A_44, %mul3A_48 : i32
      %add3A_50 = arith.constant 0 : i32
      %add3A_51 = arith.addi %mul3A_49, %add3A_50 : i32
      %get3A_52 = arith.index_cast %add3A_51 : i32 to index
      %get3A_53 = arith.constant 0 : index
      %get3A_54 = tpu.vector_load %arg8[%get3A_52, %get3A_53] {strides = array<i32>} : memref<256x128xf32, #tpu.memory_space<vmem>>, vector<1x16xf32>,
      %get3A_55 = vector.shape_cast %get3A_54 : vector<1x16xf32> to vector<16xf32>
      %swap3A = arith.index_cast %scan3A_44 : i32 to index
      %swap3A_56 = arith.constant 0 : index
      %swap3A_57 = tpu.vector_load %arg10[%swap3A, %swap3A_56] {strides = array<i32>} : memref<64x128xf32, #tpu.memory_space<vmem>>, vector<1x16xf32>,
      %swap3A_58 = vector.shape_cast %swap3A_57 : vector<1x16xf32> to vector<16xf32>
      %swap3A_59 = vector.shape_cast %get3A_55 : vector<16xf32> to vector<1x16xf32>
      tpu.vector_store %arg10[%swap3A, %swap3A_56], %swap3A_59 {strides = array<i32>} : memref<64x128xf32, #tpu.memory_space<vmem>>, vector<1x16xf32>,
      %sub3A = arith.subf %get3A_55, %get3A_47 : vector<16xf32>
      %add3A_60 = arith.addf %get3A_47, %sub3A : vector<16xf32>
      %swap3A_61 = arith.index_cast %scan3A_44 : i32 to index
      %swap3A_62 = arith.constant 0 : index
      %swap3A_63 = tpu.vector_load %arg11[%swap3A_61, %swap3A_62] {strides = array<i32>} : memref<64x128xf32, #tpu.memory_space<vmem>>, vector<1x16xf32>,
      %swap3A_64 = vector.shape_cast %swap3A_63 : vector<1x16xf32> to vector<16xf32>
      %swap3A_65 = vector.shape_cast %add3A_60 : vector<16xf32> to vector<1x16xf32>
      tpu.vector_store %arg11[%swap3A_61, %swap3A_62], %swap3A_65 {strides = array<i32>} : memref<64x128xf32, #tpu.memory_space<vmem>>, vector<1x16xf32>,
      %get3A_66 = arith.index_cast %scan3A_44 : i32 to index
      %get3A_67 = arith.constant 16 : index
      %get3A_68 = tpu.vector_load %arg9[%get3A_66, %get3A_67] {strides = array<i32>} : memref<64x128xf32, #tpu.memory_space<vmem>>, vector<1x16xf32>,
      %get3A_69 = vector.shape_cast %get3A_68 : vector<1x16xf32> to vector<16xf32>
      %mul3A_70 = arith.constant 4 : i32
      %mul3A_71 = arith.muli %scan3A_44, %mul3A_70 : i32
      %add3A_72 = arith.constant 0 : i32
      %add3A_73 = arith.addi %mul3A_71, %add3A_72 : i32
      %get3A_74 = arith.index_cast %add3A_73 : i32 to index
      %get3A_75 = arith.constant 16 : index
      %get3A_76 = tpu.vector_load %arg8[%get3A_74, %get3A_75] {strides = array<i32>} : memref<256x128xf32, #tpu.memory_space<vmem>>, vector<1x16xf32>,
      %get3A_77 = vector.shape_cast %get3A_76 : vector<1x16xf32> to vector<16xf32>
      %swap3A_78 = arith.index_cast %scan3A_44 : i32 to index
      %swap3A_79 = arith.constant 16 : index
      %swap3A_80 = tpu.vector_load %arg10[%swap3A_78, %swap3A_79] {strides = array<i32>} : memref<64x128xf32, #tpu.memory_space<vmem>>, vector<1x16xf32>,
      %swap3A_81 = vector.shape_cast %swap3A_80 : vector<1x16xf32> to vector<16xf32>
      %swap3A_82 = vector.shape_cast %get3A_77 : vector<16xf32> to vector<1x16xf32>
      tpu.vector_store %arg10[%swap3A_78, %swap3A_79], %swap3A_82 {strides = array<i32>} : memref<64x128xf32, #tpu.memory_space<vmem>>, vector<1x16xf32>,
      %sub3A_83 = arith.subf %get3A_77, %get3A_69 : vector<16xf32>
      %add3A_84 = arith.addf %get3A_69, %sub3A_83 : vector<16xf32>
      %swap3A_85 = arith.index_cast %scan3A_44 : i32 to index
      %swap3A_86 = arith.constant 16 : index
      %swap3A_87 = tpu.vector_load %arg11[%swap3A_85, %swap3A_86] {strides = array<i32>} : memref<64x128xf32, #tpu.memory_space<vmem>>, vector<1x16xf32>,
      %swap3A_88 = vector.shape_cast %swap3A_87 : vector<1x16xf32> to vector<16xf32>
      %swap3A_89 = vector.shape_cast %add3A_84 : vector<16xf32> to vector<1x16xf32>
      tpu.vector_store %arg11[%swap3A_85, %swap3A_86], %swap3A_89 {strides = array<i32>} : memref<64x128xf32, #tpu.memory_space<vmem>>, vector<1x16xf32>,
      %get3A_90 = arith.index_cast %scan3A_44 : i32 to index
      %get3A_91 = arith.constant 32 : index
      %get3A_92 = tpu.vector_load %arg9[%get3A_90, %get3A_91] {strides = array<i32>} : memref<64x128xf32, #tpu.memory_space<vmem>>, vector<1x16xf32>,
      %get3A_93 = vector.shape_cast %get3A_92 : vector<1x16xf32> to vector<16xf32>
      %mul3A_94 = arith.constant 4 : i32
      %mul3A_95 = arith.muli %scan3A_44, %mul3A_94 : i32
      %add3A_96 = arith.constant 1 : i32
      %add3A_97 = arith.addi %mul3A_95, %add3A_96 : i32
      %get3A_98 = arith.index_cast %add3A_97 : i32 to index
      %get3A_99 = arith.constant 0 : index
      %get3A_100 = tpu.vector_load %arg8[%get3A_98, %get3A_99] {strides = array<i32>} : memref<256x128xf32, #tpu.memory_space<vmem>>, vector<1x16xf32>,
      %get3A_101 = vector.shape_cast %get3A_100 : vector<1x16xf32> to vector<16xf32>
      %swap3A_102 = arith.index_cast %scan3A_44 : i32 to index
      %swap3A_103 = arith.constant 32 : index
      %swap3A_104 = tpu.vector_load %arg10[%swap3A_102, %swap3A_103] {strides = array<i32>} : memref<64x128xf32, #tpu.memory_space<vmem>>, vector<1x16xf32>,
      %swap3A_105 = vector.shape_cast %swap3A_104 : vector<1x16xf32> to vector<16xf32>
      %swap3A_106 = vector.shape_cast %get3A_101 : vector<16xf32> to vector<1x16xf32>
      tpu.vector_store %arg10[%swap3A_102, %swap3A_103], %swap3A_106 {strides = array<i32>} : memref<64x128xf32, #tpu.memory_space<vmem>>, vector<1x16xf32>,
      %sub3A_107 = arith.subf %get3A_101, %get3A_93 : vector<16xf32>
      %add3A_108 = arith.addf %get3A_93, %sub3A_107 : vector<16xf32>
      %swap3A_109 = arith.index_cast %scan3A_44 : i32 to index
      %swap3A_110 = arith.constant 32 : index
      %swap3A_111 = tpu.vector_load %arg11[%swap3A_109, %swap3A_110] {strides = array<i32>} : memref<64x128xf32, #tpu.memory_space<vmem>>, vector<1x16xf32>,
      %swap3A_112 = vector.shape_cast %swap3A_111 : vector<1x16xf32> to vector<16xf32>
      %swap3A_113 = vector.shape_cast %add3A_108 : vector<16xf32> to vector<1x16xf32>
      tpu.vector_store %arg11[%swap3A_109, %swap3A_110], %swap3A_113 {strides = array<i32>} : memref<64x128xf32, #tpu.memory_space<vmem>>, vector<1x16xf32>,
      %get3A_114 = arith.index_cast %scan3A_44 : i32 to index
      %get3A_115 = arith.constant 48 : index
      %get3A_116 = tpu.vector_load %arg9[%get3A_114, %get3A_115] {strides = array<i32>} : memref<64x128xf32, #tpu.memory_space<vmem>>, vector<1x16xf32>,
      %get3A_117 = vector.shape_cast %get3A_116 : vector<1x16xf32> to vector<16xf32>
      %mul3A_118 = arith.constant 4 : i32
      %mul3A_119 = arith.muli %scan3A_44, %mul3A_118 : i32
      %add3A_120 = arith.constant 1 : i32
      %add3A_121 = arith.addi %mul3A_119, %add3A_120 : i32
      %get3A_122 = arith.index_cast %add3A_121 : i32 to index
      %get3A_123 = arith.constant 16 : index
      %get3A_124 = tpu.vector_load %arg8[%get3A_122, %get3A_123] {strides = array<i32>} : memref<256x128xf32, #tpu.memory_space<vmem>>, vector<1x16xf32>,
      %get3A_125 = vector.shape_cast %get3A_124 : vector<1x16xf32> to vector<16xf32>
      %swap3A_126 = arith.index_cast %scan3A_44 : i32 to index
      %swap3A_127 = arith.constant 48 : index
      %swap3A_128 = tpu.vector_load %arg10[%swap3A_126, %swap3A_127] {strides = array<i32>} : memref<64x128xf32, #tpu.memory_space<vmem>>, vector<1x16xf32>,
      %swap3A_129 = vector.shape_cast %swap3A_128 : vector<1x16xf32> to vector<16xf32>
      %swap3A_130 = vector.shape_cast %get3A_125 : vector<16xf32> to vector<1x16xf32>
      tpu.vector_store %arg10[%swap3A_126, %swap3A_127], %swap3A_130 {strides = array<i32>} : memref<64x128xf32, #tpu.memory_space<vmem>>, vector<1x16xf32>,
      %sub3A_131 = arith.subf %get3A_125, %get3A_117 : vector<16xf32>
      %add3A_132 = arith.addf %get3A_117, %sub3A_131 : vector<16xf32>
      %swap3A_133 = arith.index_cast %scan3A_44 : i32 to index
      %swap3A_134 = arith.constant 48 : index
      %swap3A_135 = tpu.vector_load %arg11[%swap3A_133, %swap3A_134] {strides = array<i32>} : memref<64x128xf32, #tpu.memory_space<vmem>>, vector<1x16xf32>,
      %swap3A_136 = vector.shape_cast %swap3A_135 : vector<1x16xf32> to vector<16xf32>
      %swap3A_137 = vector.shape_cast %add3A_132 : vector<16xf32> to vector<1x16xf32>
      tpu.vector_store %arg11[%swap3A_133, %swap3A_134], %swap3A_137 {strides = array<i32>} : memref<64x128xf32, #tpu.memory_space<vmem>>, vector<1x16xf32>,
      %get3A_138 = arith.index_cast %scan3A_44 : i32 to index
      %get3A_139 = arith.constant 64 : index
      %get3A_140 = tpu.vector_load %arg9[%get3A_138, %get3A_139] {strides = array<i32>} : memref<64x128xf32, #tpu.memory_space<vmem>>, vector<1x16xf32>,
      %get3A_141 = vector.shape_cast %get3A_140 : vector<1x16xf32> to vector<16xf32>
      %mul3A_142 = arith.constant 4 : i32
      %mul3A_143 = arith.muli %scan3A_44, %mul3A_142 : i32
      %add3A_144 = arith.constant 2 : i32
      %add3A_145 = arith.addi %mul3A_143, %add3A_144 : i32
      %get3A_146 = arith.index_cast %add3A_145 : i32 to index
      %get3A_147 = arith.constant 0 : index
      %get3A_148 = tpu.vector_load %arg8[%get3A_146, %get3A_147] {strides = array<i32>} : memref<256x128xf32, #tpu.memory_space<vmem>>, vector<1x16xf32>,
      %get3A_149 = vector.shape_cast %get3A_148 : vector<1x16xf32> to vector<16xf32>
      %swap3A_150 = arith.index_cast %scan3A_44 : i32 to index
      %swap3A_151 = arith.constant 64 : index
      %swap3A_152 = tpu.vector_load %arg10[%swap3A_150, %swap3A_151] {strides = array<i32>} : memref<64x128xf32, #tpu.memory_space<vmem>>, vector<1x16xf32>,
      %swap3A_153 = vector.shape_cast %swap3A_152 : vector<1x16xf32> to vector<16xf32>
      %swap3A_154 = vector.shape_cast %get3A_149 : vector<16xf32> to vector<1x16xf32>
      tpu.vector_store %arg10[%swap3A_150, %swap3A_151], %swap3A_154 {strides = array<i32>} : memref<64x128xf32, #tpu.memory_space<vmem>>, vector<1x16xf32>,
      %sub3A_155 = arith.subf %get3A_149, %get3A_141 : vector<16xf32>
      %add3A_156 = arith.addf %get3A_141, %sub3A_155 : vector<16xf32>
      %swap3A_157 = arith.index_cast %scan3A_44 : i32 to index
      %swap3A_158 = arith.constant 64 : index
      %swap3A_159 = tpu.vector_load %arg11[%swap3A_157, %swap3A_158] {strides = array<i32>} : memref<64x128xf32, #tpu.memory_space<vmem>>, vector<1x16xf32>,
      %swap3A_160 = vector.shape_cast %swap3A_159 : vector<1x16xf32> to vector<16xf32>
      %swap3A_161 = vector.shape_cast %add3A_156 : vector<16xf32> to vector<1x16xf32>
      tpu.vector_store %arg11[%swap3A_157, %swap3A_158], %swap3A_161 {strides = array<i32>} : memref<64x128xf32, #tpu.memory_space<vmem>>, vector<1x16xf32>,
      %get3A_162 = arith.index_cast %scan3A_44 : i32 to index
      %get3A_163 = arith.constant 80 : index
      %get3A_164 = tpu.vector_load %arg9[%get3A_162, %get3A_163] {strides = array<i32>} : memref<64x128xf32, #tpu.memory_space<vmem>>, vector<1x16xf32>,
      %get3A_165 = vector.shape_cast %get3A_164 : vector<1x16xf32> to vector<16xf32>
      %mul3A_166 = arith.constant 4 : i32
      %mul3A_167 = arith.muli %scan3A_44, %mul3A_166 : i32
      %add3A_168 = arith.constant 2 : i32
      %add3A_169 = arith.addi %mul3A_167, %add3A_168 : i32
      %get3A_170 = arith.index_cast %add3A_169 : i32 to index
      %get3A_171 = arith.constant 16 : index
      %get3A_172 = tpu.vector_load %arg8[%get3A_170, %get3A_171] {strides = array<i32>} : memref<256x128xf32, #tpu.memory_space<vmem>>, vector<1x16xf32>,
      %get3A_173 = vector.shape_cast %get3A_172 : vector<1x16xf32> to vector<16xf32>
      %swap3A_174 = arith.index_cast %scan3A_44 : i32 to index
      %swap3A_175 = arith.constant 80 : index
      %swap3A_176 = tpu.vector_load %arg10[%swap3A_174, %swap3A_175] {strides = array<i32>} : memref<64x128xf32, #tpu.memory_space<vmem>>, vector<1x16xf32>,
      %swap3A_177 = vector.shape_cast %swap3A_176 : vector<1x16xf32> to vector<16xf32>
      %swap3A_178 = vector.shape_cast %get3A_173 : vector<16xf32> to vector<1x16xf32>
      tpu.vector_store %arg10[%swap3A_174, %swap3A_175], %swap3A_178 {strides = array<i32>} : memref<64x128xf32, #tpu.memory_space<vmem>>, vector<1x16xf32>,
      %sub3A_179 = arith.subf %get3A_173, %get3A_165 : vector<16xf32>
      %add3A_180 = arith.addf %get3A_165, %sub3A_179 : vector<16xf32>
      %swap3A_181 = arith.index_cast %scan3A_44 : i32 to index
      %swap3A_182 = arith.constant 80 : index
      %swap3A_183 = tpu.vector_load %arg11[%swap3A_181, %swap3A_182] {strides = array<i32>} : memref<64x128xf32, #tpu.memory_space<vmem>>, vector<1x16xf32>,
      %swap3A_184 = vector.shape_cast %swap3A_183 : vector<1x16xf32> to vector<16xf32>
      %swap3A_185 = vector.shape_cast %add3A_180 : vector<16xf32> to vector<1x16xf32>
      tpu.vector_store %arg11[%swap3A_181, %swap3A_182], %swap3A_185 {strides = array<i32>} : memref<64x128xf32, #tpu.memory_space<vmem>>, vector<1x16xf32>,
      %get3A_186 = arith.index_cast %scan3A_44 : i32 to index
      %get3A_187 = arith.constant 96 : index
      %get3A_188 = tpu.vector_load %arg9[%get3A_186, %get3A_187] {strides = array<i32>} : memref<64x128xf32, #tpu.memory_space<vmem>>, vector<1x16xf32>,
      %get3A_189 = vector.shape_cast %get3A_188 : vector<1x16xf32> to vector<16xf32>
      %mul3A_190 = arith.constant 4 : i32
      %mul3A_191 = arith.muli %scan3A_44, %mul3A_190 : i32
      %add3A_192 = arith.constant 3 : i32
      %add3A_193 = arith.addi %mul3A_191, %add3A_192 : i32
      %get3A_194 = arith.index_cast %add3A_193 : i32 to index
      %get3A_195 = arith.constant 0 : index
      %get3A_196 = tpu.vector_load %arg8[%get3A_194, %get3A_195] {strides = array<i32>} : memref<256x128xf32, #tpu.memory_space<vmem>>, vector<1x16xf32>,
      %get3A_197 = vector.shape_cast %get3A_196 : vector<1x16xf32> to vector<16xf32>
      %swap3A_198 = arith.index_cast %scan3A_44 : i32 to index
      %swap3A_199 = arith.constant 96 : index
      %swap3A_200 = tpu.vector_load %arg10[%swap3A_198, %swap3A_199] {strides = array<i32>} : memref<64x128xf32, #tpu.memory_space<vmem>>, vector<1x16xf32>,
      %swap3A_201 = vector.shape_cast %swap3A_200 : vector<1x16xf32> to vector<16xf32>
      %swap3A_202 = vector.shape_cast %get3A_197 : vector<16xf32> to vector<1x16xf32>
      tpu.vector_store %arg10[%swap3A_198, %swap3A_199], %swap3A_202 {strides = array<i32>} : memref<64x128xf32, #tpu.memory_space<vmem>>, vector<1x16xf32>,
      %sub3A_203 = arith.subf %get3A_197, %get3A_189 : vector<16xf32>
      %add3A_204 = arith.addf %get3A_189, %sub3A_203 : vector<16xf32>
      %swap3A_205 = arith.index_cast %scan3A_44 : i32 to index
      %swap3A_206 = arith.constant 96 : index
      %swap3A_207 = tpu.vector_load %arg11[%swap3A_205, %swap3A_206] {strides = array<i32>} : memref<64x128xf32, #tpu.memory_space<vmem>>, vector<1x16xf32>,
      %swap3A_208 = vector.shape_cast %swap3A_207 : vector<1x16xf32> to vector<16xf32>
      %swap3A_209 = vector.shape_cast %add3A_204 : vector<16xf32> to vector<1x16xf32>
      tpu.vector_store %arg11[%swap3A_205, %swap3A_206], %swap3A_209 {strides = array<i32>} : memref<64x128xf32, #tpu.memory_space<vmem>>, vector<1x16xf32>,
      %get3A_210 = arith.index_cast %scan3A_44 : i32 to index
      %get3A_211 = arith.constant 112 : index
      %get3A_212 = tpu.vector_load %arg9[%get3A_210, %get3A_211] {strides = array<i32>} : memref<64x128xf32, #tpu.memory_space<vmem>>, vector<1x16xf32>,
      %get3A_213 = vector.shape_cast %get3A_212 : vector<1x16xf32> to vector<16xf32>
      %mul3A_214 = arith.constant 4 : i32
      %mul3A_215 = arith.muli %scan3A_44, %mul3A_214 : i32
      %add3A_216 = arith.constant 3 : i32
      %add3A_217 = arith.addi %mul3A_215, %add3A_216 : i32
      %get3A_218 = arith.index_cast %add3A_217 : i32 to index
      %get3A_219 = arith.constant 16 : index
      %get3A_220 = tpu.vector_load %arg8[%get3A_218, %get3A_219] {strides = array<i32>} : memref<256x128xf32, #tpu.memory_space<vmem>>, vector<1x16xf32>,
      %get3A_221 = vector.shape_cast %get3A_220 : vector<1x16xf32> to vector<16xf32>
      %swap3A_222 = arith.index_cast %scan3A_44 : i32 to index
      %swap3A_223 = arith.constant 112 : index
      %swap3A_224 = tpu.vector_load %arg10[%swap3A_222, %swap3A_223] {strides = array<i32>} : memref<64x128xf32, #tpu.memory_space<vmem>>, vector<1x16xf32>,
      %swap3A_225 = vector.shape_cast %swap3A_224 : vector<1x16xf32> to vector<16xf32>
      %swap3A_226 = vector.shape_cast %get3A_221 : vector<16xf32> to vector<1x16xf32>
      tpu.vector_store %arg10[%swap3A_222, %swap3A_223], %swap3A_226 {strides = array<i32>} : memref<64x128xf32, #tpu.memory_space<vmem>>, vector<1x16xf32>,
      %sub3A_227 = arith.subf %get3A_221, %get3A_213 : vector<16xf32>
      %add3A_228 = arith.addf %get3A_213, %sub3A_227 : vector<16xf32>
      %swap3A_229 = arith.index_cast %scan3A_44 : i32 to index
      %swap3A_230 = arith.constant 112 : index
      %swap3A_231 = tpu.vector_load %arg11[%swap3A_229, %swap3A_230] {strides = array<i32>} : memref<64x128xf32, #tpu.memory_space<vmem>>, vector<1x16xf32>,
      %swap3A_232 = vector.shape_cast %swap3A_231 : vector<1x16xf32> to vector<16xf32>
      %swap3A_233 = vector.shape_cast %add3A_228 : vector<16xf32> to vector<1x16xf32>
      tpu.vector_store %arg11[%swap3A_229, %swap3A_230], %swap3A_233 {strides = array<i32>} : memref<64x128xf32, #tpu.memory_space<vmem>>, vector<1x16xf32>,
    }
    %scan3A_43 = arith.constant 64 : i32
    "tpu.region"() ({
      %run_scoped3A = tpu.sem_alloc : memref<!tpu.dma_semaphore, #tpu.memory_space<semaphore_mem>>
      %dma_start3A_44 = arith.constant 0 : i32
      %dma_start3A_45 = arith.constant 0 : i32
      %dma_start3A_46 = tpu.memref_slice %arg5[%add3A, %dma_start3A_44, %dma_start3A_45] : memref<32x64x128xf32, #tpu.memory_space<hbm>> -> memref<1x64x128xf32, #tpu.memory_space<hbm>>
      %dma_start3A_47 = tpu.memref_squeeze %dma_start3A_46 : memref<1x64x128xf32, #tpu.memory_space<hbm>> -> memref<64x128xf32, #tpu.memory_space<hbm>>
      %dma_start3A_48 = arith.constant 0 : i32
      %dma_start3A_49 = arith.constant 0 : i32
      %dma_start3A_50 = tpu.memref_slice %arg5[%add3A, %dma_start3A_48, %dma_start3A_49] : memref<32x64x128xf32, #tpu.memory_space<hbm>> -> memref<1x64x128xf32, #tpu.memory_space<hbm>>
      %dma_start3A_51 = tpu.memref_squeeze %dma_start3A_50 : memref<1x64x128xf32, #tpu.memory_space<hbm>> -> memref<64x128xf32, #tpu.memory_space<hbm>>
      tpu.enqueue_dma source(%arg10 : memref<64x128xf32, #tpu.memory_space<vmem>>) target(%dma_start3A_51 : memref<64x128xf32, #tpu.memory_space<hbm>>) target_semaphore(%run_scoped3A : memref<!tpu.dma_semaphore, #tpu.memory_space<semaphore_mem>>)
      %dma_wait3A_52 = arith.constant 0 : i32
      %dma_wait3A_53 = arith.constant 0 : i32
      %dma_wait3A_54 = tpu.memref_slice %arg5[%add3A, %dma_wait3A_52, %dma_wait3A_53] : memref<32x64x128xf32, #tpu.memory_space<hbm>> -> memref<1x64x128xf32, #tpu.memory_space<hbm>>
      %dma_wait3A_55 = tpu.memref_squeeze %dma_wait3A_54 : memref<1x64x128xf32, #tpu.memory_space<hbm>> -> memref<64x128xf32, #tpu.memory_space<hbm>>
      %dma_wait3A_56 = arith.constant 0 : i32
      %dma_wait3A_57 = arith.constant 0 : i32
      %dma_wait3A_58 = tpu.memref_slice %arg5[%add3A, %dma_wait3A_56, %dma_wait3A_57] : memref<32x64x128xf32, #tpu.memory_space<hbm>> -> memref<1x64x128xf32, #tpu.memory_space<hbm>>
      %dma_wait3A_59 = tpu.memref_squeeze %dma_wait3A_58 : memref<1x64x128xf32, #tpu.memory_space<hbm>> -> memref<64x128xf32, #tpu.memory_space<hbm>>
      tpu.wait_dma2 semaphore(%run_scoped3A : memref<!tpu.dma_semaphore, #tpu.memory_space<semaphore_mem>>) src(%arg10 : memref<64x128xf32, #tpu.memory_space<vmem>>) dst(%dma_wait3A_59 : memref<64x128xf32, #tpu.memory_space<hbm>>)
      tpu.yield
    }) : () -> ()
    "tpu.region"() ({
      %run_scoped3A = tpu.sem_alloc : memref<!tpu.dma_semaphore, #tpu.memory_space<semaphore_mem>>
      %dma_start3A_44 = arith.constant 0 : i32
      %dma_start3A_45 = arith.constant 0 : i32
      %dma_start3A_46 = tpu.memref_slice %arg6[%add3A, %dma_start3A_44, %dma_start3A_45] : memref<32x64x128xf32, #tpu.memory_space<hbm>> -> memref<1x64x128xf32, #tpu.memory_space<hbm>>
      %dma_start3A_47 = tpu.memref_squeeze %dma_start3A_46 : memref<1x64x128xf32, #tpu.memory_space<hbm>> -> memref<64x128xf32, #tpu.memory_space<hbm>>
      %dma_start3A_48 = arith.constant 0 : i32
      %dma_start3A_49 = arith.constant 0 : i32
      %dma_start3A_50 = tpu.memref_slice %arg6[%add3A, %dma_start3A_48, %dma_start3A_49] : memref<32x64x128xf32, #tpu.memory_space<hbm>> -> memref<1x64x128xf32, #tpu.memory_space<hbm>>
      %dma_start3A_51 = tpu.memref_squeeze %dma_start3A_50 : memref<1x64x128xf32, #tpu.memory_space<hbm>> -> memref<64x128xf32, #tpu.memory_space<hbm>>
      tpu.enqueue_dma source(%arg11 : memref<64x128xf32, #tpu.memory_space<vmem>>) target(%dma_start3A_51 : memref<64x128xf32, #tpu.memory_space<hbm>>) target_semaphore(%run_scoped3A : memref<!tpu.dma_semaphore, #tpu.memory_space<semaphore_mem>>)
      %dma_wait3A_52 = arith.constant 0 : i32
      %dma_wait3A_53 = arith.constant 0 : i32
      %dma_wait3A_54 = tpu.memref_slice %arg6[%add3A, %dma_wait3A_52, %dma_wait3A_53] : memref<32x64x128xf32, #tpu.memory_space<hbm>> -> memref<1x64x128xf32, #tpu.memory_space<hbm>>
      %dma_wait3A_55 = tpu.memref_squeeze %dma_wait3A_54 : memref<1x64x128xf32, #tpu.memory_space<hbm>> -> memref<64x128xf32, #tpu.memory_space<hbm>>
      %dma_wait3A_56 = arith.constant 0 : i32
      %dma_wait3A_57 = arith.constant 0 : i32
      %dma_wait3A_58 = tpu.memref_slice %arg6[%add3A, %dma_wait3A_56, %dma_wait3A_57] : memref<32x64x128xf32, #tpu.memory_space<hbm>> -> memref<1x64x128xf32, #tpu.memory_space<hbm>>
      %dma_wait3A_59 = tpu.memref_squeeze %dma_wait3A_58 : memref<1x64x128xf32, #tpu.memory_space<hbm>> -> memref<64x128xf32, #tpu.memory_space<hbm>>
      tpu.wait_dma2 semaphore(%run_scoped3A : memref<!tpu.dma_semaphore, #tpu.memory_space<semaphore_mem>>) src(%arg11 : memref<64x128xf32, #tpu.memory_space<vmem>>) dst(%dma_wait3A_59 : memref<64x128xf32, #tpu.memory_space<hbm>>)
      tpu.yield
    }) : () -> ()
    return
  }
}

module attributes {stable_mosaic.version = 14 : i64} {
  func.func @_dist_argmin_body(%arg0: i32, %arg1: memref<256x32xf32, #tpu.memory_space<vmem>>, %arg2: memref<32x8192xf32, #tpu.memory_space<vmem>>, %arg3: memref<1x1x256xi32, #tpu.memory_space<vmem>>) attributes {dimension_semantics = [#tpu.dimension_semantics<arbitrary>], iteration_bounds = array<i64: 32>, scalar_prefetch = 0 : i64, scratch_operands = 0 : i64, tpu.core_type = #tpu.core_type<tc>, window_params = [{transform_indices = @transform_0, window_bounds = array<i64: 256, 32>}, {pipeline_mode = #tpu.pipeline_mode<synchronous>, transform_indices = @transform_1, window_bounds = array<i64: 32, 8192>}, {transform_indices = @transform_2, window_bounds = array<i64: 1, 1, 256>}]} {
    %get3A = arith.constant 0 : index
    %get3A_0 = arith.constant 0 : index
    %get3A_1 = vector.load %arg1[%get3A, %get3A_0] : memref<256x32xf32, #tpu.memory_space<vmem>>, vector<256x32xf32>
    %get3A_2 = arith.constant 0 : index
    %get3A_3 = arith.constant 0 : index
    %get3A_4 = vector.load %arg2[%get3A_2, %get3A_3] : memref<32x8192xf32, #tpu.memory_space<vmem>>, vector<32x8192xf32>
    %mul3A = arith.mulf %get3A_1, %get3A_1 : vector<256x32xf32>
    %slice3A = vector.extract_strided_slice %mul3A {offsets = [0, 0], sizes = [256, 1], strides = [1, 1]} : vector<256x32xf32> to vector<256x1xf32>
    %slice3A_5 = vector.extract_strided_slice %mul3A {offsets = [0, 1], sizes = [256, 1], strides = [1, 1]} : vector<256x32xf32> to vector<256x1xf32>
    %add3A = arith.addf %slice3A, %slice3A_5 : vector<256x1xf32>
    %slice3A_6 = vector.extract_strided_slice %mul3A {offsets = [0, 2], sizes = [256, 1], strides = [1, 1]} : vector<256x32xf32> to vector<256x1xf32>
    %add3A_7 = arith.addf %add3A, %slice3A_6 : vector<256x1xf32>
    %slice3A_8 = vector.extract_strided_slice %mul3A {offsets = [0, 3], sizes = [256, 1], strides = [1, 1]} : vector<256x32xf32> to vector<256x1xf32>
    %add3A_9 = arith.addf %add3A_7, %slice3A_8 : vector<256x1xf32>
    %slice3A_10 = vector.extract_strided_slice %mul3A {offsets = [0, 4], sizes = [256, 1], strides = [1, 1]} : vector<256x32xf32> to vector<256x1xf32>
    %add3A_11 = arith.addf %add3A_9, %slice3A_10 : vector<256x1xf32>
    %slice3A_12 = vector.extract_strided_slice %mul3A {offsets = [0, 5], sizes = [256, 1], strides = [1, 1]} : vector<256x32xf32> to vector<256x1xf32>
    %add3A_13 = arith.addf %add3A_11, %slice3A_12 : vector<256x1xf32>
    %slice3A_14 = vector.extract_strided_slice %mul3A {offsets = [0, 6], sizes = [256, 1], strides = [1, 1]} : vector<256x32xf32> to vector<256x1xf32>
    %add3A_15 = arith.addf %add3A_13, %slice3A_14 : vector<256x1xf32>
    %slice3A_16 = vector.extract_strided_slice %mul3A {offsets = [0, 7], sizes = [256, 1], strides = [1, 1]} : vector<256x32xf32> to vector<256x1xf32>
    %add3A_17 = arith.addf %add3A_15, %slice3A_16 : vector<256x1xf32>
    %slice3A_18 = vector.extract_strided_slice %mul3A {offsets = [0, 8], sizes = [256, 1], strides = [1, 1]} : vector<256x32xf32> to vector<256x1xf32>
    %add3A_19 = arith.addf %add3A_17, %slice3A_18 : vector<256x1xf32>
    %slice3A_20 = vector.extract_strided_slice %mul3A {offsets = [0, 9], sizes = [256, 1], strides = [1, 1]} : vector<256x32xf32> to vector<256x1xf32>
    %add3A_21 = arith.addf %add3A_19, %slice3A_20 : vector<256x1xf32>
    %slice3A_22 = vector.extract_strided_slice %mul3A {offsets = [0, 10], sizes = [256, 1], strides = [1, 1]} : vector<256x32xf32> to vector<256x1xf32>
    %add3A_23 = arith.addf %add3A_21, %slice3A_22 : vector<256x1xf32>
    %slice3A_24 = vector.extract_strided_slice %mul3A {offsets = [0, 11], sizes = [256, 1], strides = [1, 1]} : vector<256x32xf32> to vector<256x1xf32>
    %add3A_25 = arith.addf %add3A_23, %slice3A_24 : vector<256x1xf32>
    %slice3A_26 = vector.extract_strided_slice %mul3A {offsets = [0, 12], sizes = [256, 1], strides = [1, 1]} : vector<256x32xf32> to vector<256x1xf32>
    %add3A_27 = arith.addf %add3A_25, %slice3A_26 : vector<256x1xf32>
    %slice3A_28 = vector.extract_strided_slice %mul3A {offsets = [0, 13], sizes = [256, 1], strides = [1, 1]} : vector<256x32xf32> to vector<256x1xf32>
    %add3A_29 = arith.addf %add3A_27, %slice3A_28 : vector<256x1xf32>
    %slice3A_30 = vector.extract_strided_slice %mul3A {offsets = [0, 14], sizes = [256, 1], strides = [1, 1]} : vector<256x32xf32> to vector<256x1xf32>
    %add3A_31 = arith.addf %add3A_29, %slice3A_30 : vector<256x1xf32>
    %slice3A_32 = vector.extract_strided_slice %mul3A {offsets = [0, 15], sizes = [256, 1], strides = [1, 1]} : vector<256x32xf32> to vector<256x1xf32>
    %add3A_33 = arith.addf %add3A_31, %slice3A_32 : vector<256x1xf32>
    %slice3A_34 = vector.extract_strided_slice %mul3A {offsets = [0, 16], sizes = [256, 1], strides = [1, 1]} : vector<256x32xf32> to vector<256x1xf32>
    %add3A_35 = arith.addf %add3A_33, %slice3A_34 : vector<256x1xf32>
    %slice3A_36 = vector.extract_strided_slice %mul3A {offsets = [0, 17], sizes = [256, 1], strides = [1, 1]} : vector<256x32xf32> to vector<256x1xf32>
    %add3A_37 = arith.addf %add3A_35, %slice3A_36 : vector<256x1xf32>
    %slice3A_38 = vector.extract_strided_slice %mul3A {offsets = [0, 18], sizes = [256, 1], strides = [1, 1]} : vector<256x32xf32> to vector<256x1xf32>
    %add3A_39 = arith.addf %add3A_37, %slice3A_38 : vector<256x1xf32>
    %slice3A_40 = vector.extract_strided_slice %mul3A {offsets = [0, 19], sizes = [256, 1], strides = [1, 1]} : vector<256x32xf32> to vector<256x1xf32>
    %add3A_41 = arith.addf %add3A_39, %slice3A_40 : vector<256x1xf32>
    %slice3A_42 = vector.extract_strided_slice %mul3A {offsets = [0, 20], sizes = [256, 1], strides = [1, 1]} : vector<256x32xf32> to vector<256x1xf32>
    %add3A_43 = arith.addf %add3A_41, %slice3A_42 : vector<256x1xf32>
    %slice3A_44 = vector.extract_strided_slice %mul3A {offsets = [0, 21], sizes = [256, 1], strides = [1, 1]} : vector<256x32xf32> to vector<256x1xf32>
    %add3A_45 = arith.addf %add3A_43, %slice3A_44 : vector<256x1xf32>
    %slice3A_46 = vector.extract_strided_slice %mul3A {offsets = [0, 22], sizes = [256, 1], strides = [1, 1]} : vector<256x32xf32> to vector<256x1xf32>
    %add3A_47 = arith.addf %add3A_45, %slice3A_46 : vector<256x1xf32>
    %slice3A_48 = vector.extract_strided_slice %mul3A {offsets = [0, 23], sizes = [256, 1], strides = [1, 1]} : vector<256x32xf32> to vector<256x1xf32>
    %add3A_49 = arith.addf %add3A_47, %slice3A_48 : vector<256x1xf32>
    %slice3A_50 = vector.extract_strided_slice %mul3A {offsets = [0, 24], sizes = [256, 1], strides = [1, 1]} : vector<256x32xf32> to vector<256x1xf32>
    %add3A_51 = arith.addf %add3A_49, %slice3A_50 : vector<256x1xf32>
    %slice3A_52 = vector.extract_strided_slice %mul3A {offsets = [0, 25], sizes = [256, 1], strides = [1, 1]} : vector<256x32xf32> to vector<256x1xf32>
    %add3A_53 = arith.addf %add3A_51, %slice3A_52 : vector<256x1xf32>
    %slice3A_54 = vector.extract_strided_slice %mul3A {offsets = [0, 26], sizes = [256, 1], strides = [1, 1]} : vector<256x32xf32> to vector<256x1xf32>
    %add3A_55 = arith.addf %add3A_53, %slice3A_54 : vector<256x1xf32>
    %slice3A_56 = vector.extract_strided_slice %mul3A {offsets = [0, 27], sizes = [256, 1], strides = [1, 1]} : vector<256x32xf32> to vector<256x1xf32>
    %add3A_57 = arith.addf %add3A_55, %slice3A_56 : vector<256x1xf32>
    %slice3A_58 = vector.extract_strided_slice %mul3A {offsets = [0, 28], sizes = [256, 1], strides = [1, 1]} : vector<256x32xf32> to vector<256x1xf32>
    %add3A_59 = arith.addf %add3A_57, %slice3A_58 : vector<256x1xf32>
    %slice3A_60 = vector.extract_strided_slice %mul3A {offsets = [0, 29], sizes = [256, 1], strides = [1, 1]} : vector<256x32xf32> to vector<256x1xf32>
    %add3A_61 = arith.addf %add3A_59, %slice3A_60 : vector<256x1xf32>
    %slice3A_62 = vector.extract_strided_slice %mul3A {offsets = [0, 30], sizes = [256, 1], strides = [1, 1]} : vector<256x32xf32> to vector<256x1xf32>
    %add3A_63 = arith.addf %add3A_61, %slice3A_62 : vector<256x1xf32>
    %slice3A_64 = vector.extract_strided_slice %mul3A {offsets = [0, 31], sizes = [256, 1], strides = [1, 1]} : vector<256x32xf32> to vector<256x1xf32>
    %add3A_65 = arith.addf %add3A_63, %slice3A_64 : vector<256x1xf32>
    %mul3A_66 = arith.mulf %get3A_4, %get3A_4 : vector<32x8192xf32>
    %reduce_sum3A = arith.constant dense<0.000000e+00> : vector<8192xf32>
    %reduce_sum3A_67 = vector.multi_reduction <add>, %mul3A_66, %reduce_sum3A [0] : vector<32x8192xf32> to vector<8192xf32>
    %broadcast_in_dim3A = vector.shape_cast %reduce_sum3A_67 : vector<8192xf32> to vector<1x8192xf32>
    %convert_element_type3A = arith.truncf %get3A_1 : vector<256x32xf32> to vector<256x32xbf16>
    %convert_element_type3A_68 = arith.truncf %get3A_4 : vector<32x8192xf32> to vector<32x8192xbf16>
    %dot_general3A = arith.constant dense<0.000000e+00> : vector<256x8192xf32>
    %dot_general3A_69 = tpu.matmul %convert_element_type3A, %convert_element_type3A_68, %dot_general3A {dimension_numbers = #tpu.dot_dimension_numbers<[1], [0], [0], [1], [0, 0, 1, 1], [], []>, transpose_lhs_hint = false} : vector<256x32xbf16>, vector<32x8192xbf16>, vector<256x8192xf32> -> vector<256x8192xf32>
    %mul3A_70 = arith.constant 2.000000e+00 : f32
    %mul3A_71 = vector.broadcast %mul3A_70 : f32 to vector<256x8192xf32>
    %mul3A_72 = arith.mulf %mul3A_71, %dot_general3A_69 : vector<256x8192xf32>
    %sub3A = vector.broadcast %add3A_65 : vector<256x1xf32> to vector<256x8192xf32>
    %sub3A_73 = arith.subf %sub3A, %mul3A_72 : vector<256x8192xf32>
    %add3A_74 = vector.broadcast %broadcast_in_dim3A : vector<1x8192xf32> to vector<256x8192xf32>
    %add3A_75 = arith.addf %sub3A_73, %add3A_74 : vector<256x8192xf32>
    %max3A = arith.constant 0.000000e+00 : f32
    %max3A_76 = vector.broadcast %max3A : f32 to vector<256x8192xf32>
    %max3A_77 = arith.maximumf %add3A_75, %max3A_76 : vector<256x8192xf32>
    %sqrt3A = math.sqrt %max3A_77 : vector<256x8192xf32>
    %reduce_min3A = arith.constant dense<0x7F800000> : vector<256xf32>
    %reduce_min3A_78 = vector.multi_reduction <minimumf>, %sqrt3A, %reduce_min3A [1] : vector<256x8192xf32> to vector<256xf32>
    %broadcast_in_dim3A_79 = vector.shape_cast %reduce_min3A_78 : vector<256xf32> to vector<256x1xf32>
    %iota3A = tpu.iota {dimensions = array<i32: 1>} : vector<256x8192xi32>
    %eq3A = vector.broadcast %broadcast_in_dim3A_79 : vector<256x1xf32> to vector<256x8192xf32>
    %eq3A_80 = arith.cmpf oeq, %sqrt3A, %eq3A : vector<256x8192xf32>
    %jit3A = arith.constant 8192 : i32
    %broadcast_in_dim3A_81 = vector.broadcast %jit3A : i32 to vector<256x8192xi32>
    %select_n3A = arith.select %eq3A_80, %iota3A, %broadcast_in_dim3A_81 : vector<256x8192xi1>, vector<256x8192xi32>
    %reduce_min3A_82 = arith.constant dense<2147483647> : vector<256xi32>
    %reduce_min3A_83 = vector.multi_reduction <minsi>, %select_n3A, %reduce_min3A_82 [1] : vector<256x8192xi32> to vector<256xi32>
    %swap3A = arith.constant 0 : index
    %swap3A_84 = arith.constant 0 : index
    %swap3A_85 = arith.constant 0 : index
    %swap3A_86 = vector.load %arg3[%swap3A, %swap3A_84, %swap3A_85] : memref<1x1x256xi32, #tpu.memory_space<vmem>>, vector<1x1x256xi32>
    %swap3A_87 = vector.shape_cast %swap3A_86 : vector<1x1x256xi32> to vector<256xi32>
    %swap3A_88 = vector.shape_cast %reduce_min3A_83 : vector<256xi32> to vector<1x1x256xi32>
    tpu.vector_store %arg3[%swap3A, %swap3A_84, %swap3A_85], %swap3A_88 {strides = array<i32>} : memref<1x1x256xi32, #tpu.memory_space<vmem>>, vector<1x1x256xi32>,
    return
  }
  func.func @transform_0(%arg0: i32) -> (i32, i32) {
    %c0_i32 = arith.constant 0 : i32
    %c0_i32_0 = arith.constant 0 : i32
    return %arg0, %c0_i32 : i32, i32
  }
  func.func @transform_1(%arg0: i32) -> (i32, i32) {
    %c0_i32 = arith.constant 0 : i32
    %c0_i32_0 = arith.constant 0 : i32
    %c0_i32_1 = arith.constant 0 : i32
    return %c0_i32, %c0_i32_0 : i32, i32
  }
  func.func @transform_2(%arg0: i32) -> (i32, i32, i32) {
    %c0_i32 = arith.constant 0 : i32
    %c0_i32_0 = arith.constant 0 : i32
    %c0_i32_1 = arith.constant 0 : i32
    return %arg0, %c0_i32, %c0_i32_0 : i32, i32, i32
  }
}

</mosaic_0001>

<sc_bundles>
// kernel: kernel.4.cloned.1.call-start
scs
__scs_entry_jumppad:
0x0: {  	(pc) =	sbr.rel $0x88, $3  }
0x1: {  	(tag) =	ssettag $0x0;
	lr =	simm.s32 $0x1  }
0x2: {  	[smem:$0x3F9F] =	sst lr;
	_ =	strace $0xD0000000  }
0x3: {  	_ = 	snop  }
0x4: {  	_ = 	snop  }
0x5: {  	_ = 	snop  }
0x6: {  	_ = 	snop  }
0x7: {  	_ = 	snop  }
__scs_overlays_trampoline_lowered:
0x8: {  	[smem:$0x3FAE] =	sst s0  }
0x9: {  	[smem:$0x3FAF] =	sst s1  }
0xa: {  	[smem:$0x3FB0] =	sst s2  }
0xb: {  	[smem:$0x3FB1] =	sst s3  }
0xc: {  	[smem:$0x3FB2] =	sst s4  }
0xd: {  	[smem:$0x3FB3] =	sst s5  }
0xe: {  	[smem:$0x3FB4] =	sst s6  }
0xf: {  	[smem:$0x3FB5] =	sst s7  }
0x10: {  	[smem:$0x3FB6] =	sst s8  }
0x11: {  	[smem:$0x3FB7] =	sst s9;
	s0 =	simm.s32 @!p0 $0x0  }
0x12: {  	s1 =	sld [smem:$0x3F9D];
	s0 =	simm.s32 @p0 $0x1  }
0x13: {  	[smem:$0x3FB8] =	sst s0;
	s0 =	simm.s32 @!p1 $0x0  }
0x14: {  	s2 =	sld [smem:$0x3F9C];
	s0 =	simm.s32 @p1 $0x1  }
0x15: {  	[smem:$0x3FB9] =	sst s0;
	s0 =	simm.s32 @!p2 $0x0  }
0x16: {  	s3 =	sld [smem:$0x3FDB];
	s0 =	simm.s32 @p2 $0x1  }
0x17: {  	s4 =	simm.s32 $0x1BF5;
	[smem:$0x3FBB] =	sst s0  }
0x18: {  	s0 =	sld [smem:$0x3F9E];
	_ =	swait.ge [sflag:s4], $0x0  }
0x19: {  	s7 =	sld [smem:$0x3F9F]  }
0x1a: {  	s8 =	sadd.s32 $0xFFFFE003, lr  }
0x1b: {  	s9 =	sadd.s32 $0xFFFFFEF7, lr;
	s5 =	simm.s32 $0xFFFFFFFF;
	p2 =	slt.u32 s8, $0xFFFFF086  }
0x1c: {  	p1 =	slt.u32 s9, $0xF7A;
	s5 =	simm.s32 @!p2 $0x0  }
0x1d: {  	s5 =	simm.s32 @p1 $0x1;
	p0 =	seq.s32 s7, s2  }
0x1e: {  	s7 =	smul.u32 @!p0 $0xF7A, s2;
	p2 =	seq.s32 @!p0 s5, $0x0  }
0x1f: {  	s9 =	smul.u32 $0xF7A, s1;
	s8 =	simm.s32 @!p0 $0x1BF5;
	p2 =	por !p2, p0  }
0x20: {  	[sflag:s8] =	ssyncset.s32 @!p0 $0xFFFFF086;
	s6 =	sadd.s32 @!p0 s3, s7;
	s7 =	simm.s32 @!p0 $0x108  }
0x21: {  	s3 =	sadd.s32 s3, s9;
	s6 =	sadd.s32 @!p0 $0x88, s6;
	s7 =	simm.s32 @p2 $0x1082  }
0x22: {  	[simem:s7], [sflag:s8] =	dma.local @!p0 [hbm:s6], $0xF7A  }
0x23: {  	s9 =	sor.u32 $0xD0000000, s2;
	s6 =	simm.s32 $0x108;
	_ =	swait.ge @!p0 [sflag:s8], $0x0  }
0x24: {  	s3 =	sadd.s32 $0x88, s3;
	s6 =	simm.s32 @!p1 $0x1082;
	[sflag:s4] =	ssyncset.s32 $0xFFFFF086  }
0x25: {  	[simem:s6], [sflag:s4] =	dma.local [hbm:s3], $0xF7A  }
0x26: {  	[smem:$0x3F9F] =	sst s1;
	(tag) =	ssettag s2;
	_ =	strace s9  }
0x27: {  	s1 =	sld [smem:$0x3FAF]  }
0x28: {  	s2 =	sld [smem:$0x3FB0]  }
0x29: {  	s4 =	sld [smem:$0x3FB2]  }
0x2a: {  	p0 =	seq.s32 s5, $0x0;
	s5 =	sld [smem:$0x3FB3]  }
0x2b: {  	s6 =	sld [smem:$0x3FB4]  }
0x2c: {  	s7 =	sld [smem:$0x3FB5]  }
0x2d: {  	s3 =	simm.s32 $0x108;
	s8 =	sld [smem:$0x3FB6]  }
0x2e: {  	s3 =	simm.s32 @!p0 $0x1082;
	s9 =	sld [smem:$0x3FB7]  }
0x2f: {  	lr =	sadd.s32 s0, s3;
	s0 =	sld [smem:$0x3FAE]  }
0x30: {  	s3 =	sld [smem:$0x3FB1]  }
0x31: {  	[smem:$0x3FBA] =	sst s10  }
0x32: {  	s10 =	sld [smem:$0x3FB8];
	_ =	sdelay $0x3  }
0x33: {  	p0 =	seq.s32 s10, $0x1;
	s10 =	sld [smem:$0x3FBA];
	_ =	sdelay $0x3  }
0x34: {  	[smem:$0x3FBA] =	sst s10  }
0x35: {  	s10 =	sld [smem:$0x3FB9];
	_ =	sdelay $0x3  }
0x36: {  	p1 =	seq.s32 s10, $0x1;
	s10 =	sld [smem:$0x3FBA];
	_ =	sdelay $0x3  }
0x37: {  	[smem:$0x3FBA] =	sst s10  }
0x38: {  	s10 =	sld [smem:$0x3FBB]  }
0x39: {  	_ = 	snop;
	(pc) =	sbr.ind lr, $3  }
0x3a: {  	_ = 	snop  }
0x3b: {  	_ = 	snop  }
0x3c: {  	p2 =	seq.s32 s10, $0x1;
	s10 =	sld [smem:$0x3FBA]  }
0x3d: {  	_ =	shalt  }
0x3e: {  	_ =	shalt  }
0x3f: {  	_ =	shalt  }
0x40: {  	_ =	shalt  }
0x41: {  	_ =	shalt  }
0x42: {  	_ =	shalt  }
0x43: {  	_ =	shalt  }
0x44: {  	_ =	shalt  }
0x45: {  	_ =	shalt  }
0x46: {  	_ =	shalt  }
0x47: {  	_ =	shalt  }
0x48: {  	_ =	shalt  }
0x49: {  	_ =	shalt  }
0x4a: {  	_ =	shalt  }
0x4b: {  	_ =	shalt  }
0x4c: {  	_ =	shalt  }
0x4d: {  	_ =	shalt  }
0x4e: {  	_ =	shalt  }
0x4f: {  	_ =	shalt  }
0x50: {  	_ =	shalt  }
0x51: {  	_ =	shalt  }
0x52: {  	_ =	shalt  }
0x53: {  	_ =	shalt  }
0x54: {  	_ =	shalt  }
0x55: {  	_ =	shalt  }
0x56: {  	_ =	shalt  }
0x57: {  	_ =	shalt  }
0x58: {  	_ =	shalt  }
0x59: {  	_ =	shalt  }
0x5a: {  	_ =	shalt  }
0x5b: {  	_ =	shalt  }
0x5c: {  	_ =	shalt  }
0x5d: {  	_ =	shalt  }
0x5e: {  	_ =	shalt  }
0x5f: {  	_ =	shalt  }
0x60: {  	_ =	shalt  }
0x61: {  	_ =	shalt  }
0x62: {  	_ =	shalt  }
0x63: {  	_ =	shalt  }
0x64: {  	_ =	shalt  }
0x65: {  	_ =	shalt  }
0x66: {  	_ =	shalt  }
0x67: {  	_ =	shalt  }
0x68: {  	_ =	shalt  }
0x69: {  	_ =	shalt  }
0x6a: {  	_ =	shalt  }
0x6b: {  	_ =	shalt  }
0x6c: {  	_ =	shalt  }
0x6d: {  	_ =	shalt  }
0x6e: {  	_ =	shalt  }
0x6f: {  	_ =	shalt  }
0x70: {  	_ =	shalt  }
0x71: {  	_ =	shalt  }
0x72: {  	_ =	shalt  }
0x73: {  	_ =	shalt  }
0x74: {  	_ =	shalt  }
0x75: {  	_ =	shalt  }
0x76: {  	_ =	shalt  }
0x77: {  	_ =	shalt  }
0x78: {  	_ =	shalt  }
0x79: {  	_ =	shalt  }
0x7a: {  	_ =	shalt  }
0x7b: {  	_ =	shalt  }
0x7c: {  	_ =	shalt  }
0x7d: {  	_ =	shalt  }
0x7e: {  	_ =	shalt  }
0x7f: {  	_ =	shalt  }
0x80: {  	_ =	shalt  }
0x81: {  	_ =	shalt  }
0x82: {  	_ =	shalt  }
0x83: {  	_ =	shalt  }
0x84: {  	_ =	shalt  }
0x85: {  	_ =	shalt  }
0x86: {  	_ =	shalt  }
0x87: {  	_ =	shalt  }
.Lfunc_end0:
.L_simem_size_0:
called_computation_lowered:
.L_overlay_start_0:
0x88: {  	s2 =	sld [smem:$0x3FD9]  }
0x89: {  	s3 =	sld [smem:$0x3FFE];
	_ =	sdelay $0x1  }
0x8a: {  	s1 =	srdreg.scid  }
0x8b: {  	s0 =	sand.u32 $0x1, s1  }
0x8c: {  	s14 =	sshll.u32 s0, $0xA;
	s2 =	sadd.s32 s3, s2  }
0x8d: {  	s2 =	sadd.s32 s2, s14  }
0x8e: {  	[smem:$0x3FC6] =	sst s2  }
0x8f: {  	_ = 	snop  }
0x90: {  	s2 =	sld [smem:$0x3FD0];
	_ =	sdelay $0x2  }
0x91: {  	s15 =	simm.s32 $0xA;
	s4 =	simm.s32 $0x10  }
0x92: {  	[smem:s4], [sflag:s15] =	dma.local [hbm:s2], $0x1  }
0x93: {  	_ =	swait.eq [sflag:s15], $0x1  }
0x94: {  	[sflag:s15] =	ssyncset.done $0x0  }
0x95: {  	s16 =	sld [smem:$0x10];
	[sflag:s15] =	ssyncadd.s32 $0xFFFFFFFF  }
0x96: {  	s17 =	sld [smem:$0x11];
	(tm) =	ssettm $0x1  }
0x97: {  	s18 =	sld [smem:$0x3FFB];
	_ =	sdelay $0x3  }
0x98: {  	_ =	strace s18  }
0x99: {  	s4 =	sld [smem:$0x3FFC];
	_ =	sdelay $0x3  }
0x9a: {  	_ =	strace s4  }
0x9b: {  	s4 =	sld [smem:$0x3FFD];
	_ =	sdelay $0x3  }
0x9c: {  	_ =	strace s4  }
0x9d: {  	_ =	strace $0x8FFFFFFF  }
0x9e: {  	s19 =	sld [smem:$0x3FDB];
	_ =	sdelay $0x1  }
0x9f: {  	s5 =	simm.s32 $_scs_section_size  }
0xa0: {  	s6 =	simm.s32 $_size__tile_overlayer_lowered;
	s7 =	simm.s32 $_tile_overlayer_lowered  }
0xa1: {  	s22 =	simm.s32 $0x1BFF;
	s21 =	sshll.u32 s7, $0x1;
	s4 =	sadd.s32 s5, s19  }
0xa2: {  	s8 =	simm.s32 $0x0;
	s20 =	sshll.u32 s6, $0x1;
	s6 =	sadd.s32 s21, s4  }
0xa3: {  	[timem:s8], [sflag:s22] =	dma.local [hbm:s6], s20  }
0xa4: {  	_ =	swait.ge [sflag:s22], s20  }
0xa5: {  	s5 =	ssub.s32 $0x0, s20;
	[sflag:s22] =	ssyncset.done $0x0  }
0xa6: {  	[sflag:s22] =	ssyncadd.s32 s5;
	_ =	sdelay $0x1  }
0xa7: {  	s23 =	simm.s32 $0x1B8B  }
0xa8: {  	_ =	swait.ge [sflag:s23], $0x1  }
0xa9: {  	[sflag:s23] =	ssyncset.done $0x0  }
0xaa: {  	s25 =	simm.s32 $0x1B8E;
	s24 =	sld [smem:$0x3FFE];
	[sflag:s23] =	ssyncadd.s32 $0xFFFFFFFF  }
0xab: {  	s26 =	simm.s32 $execute0_lowered;
	[smem:$0x3FD2] =	sst s25  }
0xac: {  	s6 =	sshll.u32 s26, $0x1;
	_ =	strace $0x80000046;
	[dreg:$0x1] =	wrdreg $0xFFFFFFFF  }
0xad: {  	s28 =	simm.s32 $_size_execute0_lowered;
	s4 =	sadd.s32 s4, s6;
	[dreg:$0x0] =	wrdreg $0x0  }
0xae: {  	s6 =	sshll.u32 s28, $0x1;
	[dreg:$0x2] =	wrdreg s4  }
0xaf: {  	[dreg:$0x3] =	wrdreg s6  }
0xb0: {  	[dreg:$0x4] =	wrdreg $0xC0  }
0xb1: {  	_ =	task [dreg:s8], $0x5FFFF  }
0xb2: {  	[dreg:$0x1] =	wrdreg $0xFFFFFFFF  }
0xb3: {  	[dreg:$0x0] =	wrdreg $0x60  }
0xb4: {  	[dreg:$0x2] =	wrdreg s17  }
0xb5: {  	[dreg:$0x3] =	wrdreg s24  }
0xb6: {  	[dreg:$0x4] =	wrdreg s16  }
0xb7: {  	[dreg:$0x5] =	wrdreg $0x9  }
0xb8: {  	_ =	task.clear_ibuf [dreg:s8], $0x6FFFF;
	_ =	strace $0x90000046  }
0xb9: {  	s29 =	simm.s32 $0x9;
	_ =	strace $0x80000048  }
0xba: {  	_ =	swait.ge [sflag:s29], $0x1  }
0xbb: {  	[sflag:s29] =	ssyncadd.s32 $0xFFFFFFFF  }
0xbc: {  	_ =	strace $0x90000048  }
0xbd: {  	_ =	sfence  }
0xbe: {  	s30 =	sld [smem:$0x0];
	_ =	sdelay $0x2  }
0xbf: {  	s31 =	sshll.u32 s1, $0xD;
	s1 =	sshrl.u32 s1, $0x2  }
0xc0: {  	s3 =	sand.u32 $0x4000, s31;
	s1 =	sadd.s32 s1, s30  }
0xc1: {  	s0 =	sor.u32 s3, s0;
	s1 =	sshll.u32 s1, $0x11  }
0xc2: {  	s0 =	sor.u32 s1, s0  }
0xc3: {  	s0 =	sadd.s32 $0x8F2B, s0  }
0xc4: {  	[sflag:s0] =	ssyncadd.remote.s32 $0x1  }
0xc5: {  	_ =	sfence.sel $0xFFFF  }
0xc6: {  	[dreg:$0x0] =	wrdreg $0xFFFFFFFF;
	(pc) =	sbr.abs _section_cstart, $3  }
0xc7: {  	[dreg:$0x1] =	wrdreg $0xFFFFFFFF  }
0xc8: {  	_ =	task.clear_ibuf [dreg:s8], $0x2FFFF;
	_ =	strace $0x9FFFFFFF  }
0xc9: {  	(tm) =	ssettm $0x7FFFFFFF  }
tec
execute0_lowered:
.L_overlay_start_1:
0x0: {  	(tag) =	ssettag $0x1  }
0x1: {  	s1 =	rddreg [dreg:$0x0]  }
0x2: {  	s4 =	rddreg [dreg:$0x1]  }
0x3: {  	s5 =	rddreg [dreg:$0x2]  }
0x4: {  	s0 =	rddreg [dreg:$0x3];
	s3 =	simm.s32 $0x0;
	s6 =	srdreg.scid  }
0x5: {  	s2 =	stileid.u32;
	s11 =	simm.s32 $0x80;
	s12 =	simm.s32 $0x100  }
0x6: {  	s13 =	simm.s32 $0x1;
	s14 =	simm.s32 $0x4100;
	s15 =	simm.s32 $0xA100  }
0x7: {  	s16 =	simm.s32 $0xC100;
	s6 =	sand.u32 $0x1, s6;
	s7 =	sshll.u32 s2, $0x1  }
0x8: {  	s17 =	simm.s32 $0x0;
	[smem:$0x7FF] =	sst s3;
	s7 =	sor.u32 s6, s7  }
0x9: {  	_ =	strace $0x80000047;
	s6 =	ssub.s32 $0x2, s6;
	s8 =	sshll.u32 s7, $0x5  }
0xa: {  	s7 =	sshll.u32 s7, $0xA;
	s31 =	sshrl.u32 s6, $0x1;
	s8 =	sadd.s32 s8, s4  }
0xb: {  	s9 =	sadd.s32 s7, s4;
	s10 =	ssub.s32 s6, s31;
	s5 =	sadd.s32 s5, s7  }
0xc: {  	s4 =	sadd.s32 $0xC00, s8;
	s6 =	sadd.s32 $0x9000, s9;
	s7 =	sadd.s32 $0x1000, s9  }
0xd: {  	s8 =	smax.u32 s10, $0x1;
	s9 =	simm.s32 $0x2;
	s10 =	simm.s32 $0x8100  }
.LBB2_1:
0xe: {  	[tilespmem:s3], [sflag:$0x2] =	stream.linear.gather [hbm4b:s4+s3], $0x100, $0x38;
	[tilespmem:$0xE100] =	vst v63  }
0xf: {  	_ =	swait.ge [sflag:s9], $0x100  }
0x10: {  	[sflag:s9] =	ssyncset.done $0x0  }
0x11: {  	[sflag:s9] =	ssyncadd.s32 $0xFFFFFF00  }
0x12: {  	[tilespmem:s10], [sflag:$0x2] =	stream.linear.gather [hbm4b:s5+s3], $0x2000, $0x38;
	[tilespmem:$0xE100] =	vst v63  }
0x13: {  	_ =	swait.ge [sflag:s9], $0x2000  }
0x14: {  	[sflag:s9] =	ssyncset.done $0x0  }
0x15: {  	[sflag:s9] =	ssyncadd.s32 $0xFFFFE000  }
0x16: {  	[tilespmem:s12], [sflag:$0x1] =	stream.indirect.gather [hbm4b:s1+s11], $0x80, s3, s11, $0xb8;
	[tilespmem:$0xE100] =	vst v63  }
0x17: {  	_ =	swait.ge [sflag:s13], $0x4000  }
0x18: {  	[sflag:s13] =	ssyncset.done $0x0  }
0x19: {  	[sflag:s13] =	ssyncadd.s32 $0xFFFFC000  }
0x1a: {  	[tilespmem:s14], [sflag:$0x1] =	stream.indirect.gather [hbm4b:s1+s11], $0x80, s11, s11, $0xb8;
	[tilespmem:$0xE100] =	vst v63  }
0x1b: {  	_ =	swait.ge [sflag:s13], $0x4000  }
0x1c: {  	[sflag:s13] =	ssyncset.done $0x0  }
0x1d: {  	s18 =	simm.s32 $0x0;
	[sflag:s13] =	ssyncadd.s32 $0xFFFFC000  }
0x1e: {  	s19 =	simm.s32 $0x200;
	s20 =	simm.s32 $0x200;
	v0 =	vld [tilespmem:s18+$0x8100]  }
.LBB2_2:
0x1f: {  	p0 =	sne.s32 s20, $0x7E00;
	v1 =	vld [tilespmem:s19+$0xFFFFFF00];
	_ =	sdelay $0x4  }
0x20: {  	[tilespmem:s18+$0xA100] =	vst v1;
	v1 =	vsub.f32 v1, v0;
	_ =	sdelay $0x1  }
0x21: {  	v0 =	vadd.f32 v1, v0;
	_ =	sdelay $0x1  }
0x22: {  	[tilespmem:s18+$0xC100] =	vst v0;
	v0 =	vld [tilespmem:s18+$0x8110]  }
0x23: {  	v1 =	vld [tilespmem:s19+$0xFFFFFF10];
	_ =	sdelay $0x4  }
0x24: {  	[tilespmem:s18+$0xA110] =	vst v1;
	v1 =	vsub.f32 v1, v0;
	_ =	sdelay $0x1  }
0x25: {  	v0 =	vadd.f32 v1, v0;
	_ =	sdelay $0x1  }
0x26: {  	[tilespmem:s18+$0xC110] =	vst v0;
	v0 =	vld [tilespmem:s18+$0x8120]  }
0x27: {  	v1 =	vld [tilespmem:s19+$0xFFFFFF80];
	_ =	sdelay $0x4  }
0x28: {  	v2 =	vsub.f32 v1, v0;
	_ =	sdelay $0x1  }
0x29: {  	v0 =	vadd.f32 v2, v0  }
0x2a: {  	[tilespmem:s18+$0xA120] =	vst v1  }
0x2b: {  	[tilespmem:s18+$0xC120] =	vst v0;
	v0 =	vld [tilespmem:s18+$0x8130]  }
0x2c: {  	v1 =	vld [tilespmem:s19+$0xFFFFFF90];
	_ =	sdelay $0x4  }
0x2d: {  	v2 =	vsub.f32 v1, v0;
	_ =	sdelay $0x1  }
0x2e: {  	v0 =	vadd.f32 v2, v0  }
0x2f: {  	[tilespmem:s18+$0xA130] =	vst v1  }
0x30: {  	[tilespmem:s18+$0xC130] =	vst v0;
	v0 =	vld [tilespmem:s18+$0x8140]  }
0x31: {  	v1 =	vld [tilespmem:s19+$0x0];
	_ =	sdelay $0x4  }
0x32: {  	v2 =	vsub.f32 v1, v0;
	_ =	sdelay $0x1  }
0x33: {  	v0 =	vadd.f32 v2, v0  }
0x34: {  	[tilespmem:s18+$0xA140] =	vst v1  }
0x35: {  	[tilespmem:s18+$0xC140] =	vst v0;
	v0 =	vld [tilespmem:s18+$0x8150]  }
0x36: {  	v1 =	vld [tilespmem:s19+$0x10];
	_ =	sdelay $0x4  }
0x37: {  	v2 =	vsub.f32 v1, v0;
	_ =	sdelay $0x1  }
0x38: {  	v0 =	vadd.f32 v2, v0  }
0x39: {  	[tilespmem:s18+$0xA150] =	vst v1  }
0x3a: {  	[tilespmem:s18+$0xC150] =	vst v0;
	v0 =	vld [tilespmem:s18+$0x8160]  }
0x3b: {  	v1 =	vld [tilespmem:s19+$0x80];
	_ =	sdelay $0x4  }
0x3c: {  	v2 =	vsub.f32 v1, v0;
	_ =	sdelay $0x1  }
0x3d: {  	v0 =	vadd.f32 v2, v0  }
0x3e: {  	[tilespmem:s18+$0xA160] =	vst v1  }
0x3f: {  	[tilespmem:s18+$0xC160] =	vst v0;
	v0 =	vld [tilespmem:s18+$0x8170]  }
0x40: {  	v1 =	vld [tilespmem:s19+$0x90];
	_ =	sdelay $0x4  }
.Ltmp0:
0x41: {  	[tilespmem:s18+$0xA170] =	vst v1;
	v1 =	vsub.f32 v1, v0;
	(pc) =	sbr.rel @p0 .LBB2_2-.Ltmp0, $4  }
0x42: {  	_ = 	snop  }
0x43: {  	v1 =	vadd.f32 v1, v0  }
0x44: {  	s21 =	sshra.s32 s20, $0x2  }
0x45: {  	s20 =	sadd.s32 $0x200, s20;
	s19 =	sadd.s32 $0x200, s19;
	v0 =	vld [tilespmem:s21+$0x8100];
	[tilespmem:s18+$0xC170] =	vst v1;
	s18 =	smov.u32 s21  }
0x46: {  	v1 =	vld [tilespmem:s19+$0xFFFFFF00];
	_ =	sdelay $0x4  }
0x47: {  	v2 =	vsub.f32 v1, v0;
	_ =	sdelay $0x1  }
0x48: {  	v0 =	vadd.f32 v2, v0  }
0x49: {  	[tilespmem:s18+$0xA100] =	vst v1  }
0x4a: {  	v50 =	vld [tilespmem:s18+$0x8110];
	[tilespmem:s18+$0xC100] =	vst v0  }
0x4b: {  	v1 =	vld [tilespmem:s19+$0xFFFFFF10];
	_ =	sdelay $0x4  }
0x4c: {  	v51 =	vsub.f32 v1, v50;
	_ =	sdelay $0x1  }
0x4d: {  	v0 =	vadd.f32 v51, v50  }
0x4e: {  	[tilespmem:s18+$0xA110] =	vst v1  }
0x4f: {  	v52 =	vld [tilespmem:s18+$0x8120];
	[tilespmem:s18+$0xC110] =	vst v0  }
0x50: {  	v1 =	vld [tilespmem:s19+$0xFFFFFF80];
	_ =	sdelay $0x4  }
0x51: {  	v53 =	vsub.f32 v1, v52;
	_ =	sdelay $0x1  }
0x52: {  	v0 =	vadd.f32 v53, v52  }
0x53: {  	[tilespmem:s18+$0xA120] =	vst v1  }
0x54: {  	v54 =	vld [tilespmem:s18+$0x8130];
	[tilespmem:s18+$0xC120] =	vst v0  }
0x55: {  	v1 =	vld [tilespmem:s19+$0xFFFFFF90];
	_ =	sdelay $0x4  }
0x56: {  	v55 =	vsub.f32 v1, v54;
	_ =	sdelay $0x1  }
0x57: {  	v0 =	vadd.f32 v55, v54  }
0x58: {  	[tilespmem:s18+$0xA130] =	vst v1  }
0x59: {  	v56 =	vld [tilespmem:s18+$0x8140];
	[tilespmem:s18+$0xC130] =	vst v0  }
0x5a: {  	v1 =	vld [tilespmem:s19+$0x0];
	_ =	sdelay $0x4  }
0x5b: {  	v57 =	vsub.f32 v1, v56;
	_ =	sdelay $0x1  }
0x5c: {  	v0 =	vadd.f32 v57, v56  }
0x5d: {  	[tilespmem:s18+$0xA140] =	vst v1  }
0x5e: {  	v58 =	vld [tilespmem:s18+$0x8150];
	[tilespmem:s18+$0xC140] =	vst v0  }
0x5f: {  	v1 =	vld [tilespmem:s19+$0x10];
	_ =	sdelay $0x4  }
0x60: {  	v59 =	vsub.f32 v1, v58;
	_ =	sdelay $0x1  }
0x61: {  	v0 =	vadd.f32 v59, v58  }
0x62: {  	[tilespmem:s18+$0xA150] =	vst v1  }
0x63: {  	v60 =	vld [tilespmem:s18+$0x8160];
	[tilespmem:s18+$0xC150] =	vst v0  }
0x64: {  	v1 =	vld [tilespmem:s19+$0x80];
	_ =	sdelay $0x4  }
0x65: {  	v61 =	vsub.f32 v1, v60;
	_ =	sdelay $0x1  }
0x66: {  	v0 =	vadd.f32 v61, v60  }
0x67: {  	[tilespmem:s18+$0xA160] =	vst v1  }
0x68: {  	v62 =	vld [tilespmem:s18+$0x8170];
	[tilespmem:s18+$0xC160] =	vst v0  }
0x69: {  	v1 =	vld [tilespmem:s19+$0x90];
	_ =	sdelay $0x4  }
0x6a: {  	v63 =	vsub.f32 v1, v62;
	_ =	sdelay $0x1  }
0x6b: {  	v0 =	vadd.f32 v63, v62  }
0x6c: {  	[tilespmem:s18+$0xA170] =	vst v1  }
0x6d: {  	[tilespmem:s18+$0xC170] =	vst v0  }
0x6e: {  	[hbm4b:s6+s3] =	stream.linear.scatter [tilespmem:s15], [sflag:$0x2], $0x2000, $0x38;
	[tilespmem:$0xE100] =	vst v63  }
0x6f: {  	s17 =	sadd.s32 $0x1, s17;
	_ =	swait.ge [sflag:s9], $0x2000  }
0x70: {  	p0 =	sne.s32 s17, s8;
	[sflag:s9] =	ssyncset.done $0x0  }
.Ltmp1:
0x71: {  	[sflag:s9] =	ssyncadd.s32 $0xFFFFE000;
	(pc) =	sbr.rel @p0 .LBB2_1-.Ltmp1, $4  }
0x72: {  	[hbm4b:s7+s3] =	stream.linear.scatter [tilespmem:s16], [sflag:$0x2], $0x2000, $0x38;
	[tilespmem:$0xE100] =	vst v63  }
0x73: {  	_ =	swait.ge [sflag:s9], $0x2000  }
0x74: {  	[sflag:s9] =	ssyncset.done $0x0  }
0x75: {  	[sflag:s9] =	ssyncadd.s32 $0xFFFFE000  }
0x76: {  	_ =	sfence.sel $0x180000  }
0x77: {  	[bflag:$0x0] =	sbarrier.arrive $0xFFFF  }
0x78: {  	p0 =	sne.s32 s2, $0x0;
	_ =	strace $0x90000047  }
0x79: {  	s0 =	sadd.s32 @!p0 $0x100000, s0;
	[bflag:$0x2] =	sbarrier.arrive $0xFFFF  }
0x7a: {  	[sflag:s0] =	ssyncadd.tile.s32 @!p0 $0x1;
	_ =	shalt  }
.Lfunc_end2:
_tile_overlayer_lowered:
.L_overlay_start_2:
0x7b: {  	(tag) =	ssettag $0x2  }
0x7c: {  	s0 =	rddreg [dreg:$0x0];
	s2 =	stileid.u32  }
0x7d: {  	s1 =	rddreg [dreg:$0x1];
	p0 =	sne.s32 s2, $0x0  }
0x7e: {  	s3 =	rddreg [dreg:$0x2];
	[bflag:$0x3] =	sbarrier.arrive $0xFFFF;
	s2 =	simm.s32 @!p0 $0x1C02  }
0x7f: {  	[timem:s3], [sflag:s2] =	dma.local @!p0 [hbm:s0], s1  }
0x80: {  	s0 =	simm.s32 @!p0 $0x2  }
0x81: {  	_ =	swait.ge @!p0 [sflag:s0], s1  }
0x82: {  	s1 =	ssub.s32 @!p0 $0x0, s1;
	[sflag:s0] =	ssyncset.done @!p0 $0x0  }
0x83: {  	[sflag:s0] =	ssyncadd.s32 @!p0 s1  }
0x84: {  	[bflag:$0x3] =	sbarrier.arrive $0xFFFF  }
0x85: {  	_ =	shalt  }

</sc_bundles>
